<compile_context>
chip_gen: v7x
topology: tpu7x:2x2x1
jax: 0.10.2.dev20260603
libtpu: 0.0.44.dev20260713+nightly
codegen_flags: <defaults>
</compile_context>

<pallas_src>
import functools

import jax
import jax.numpy as jnp
from jax import lax
from jax.experimental import pallas as pl
from jax.experimental.pallas import tpu as pltpu
from jax.experimental.pallas import tpu_sc as plsc

_LANES = 16
_CB = 8


@functools.lru_cache(maxsize=None)
def _make_pool(B, L, E, V):
    info = plsc.get_sparse_core_info()
    nc, ns = info.num_cores, info.num_subcores
    nw = nc * ns
    bpw = B // nw
    nchunks = bpw // _CB
    ecols = E // _LANES
    mesh = plsc.VectorSubcoreMesh(core_axis_name="c", subcore_axis_name="s")

    @functools.partial(
        pl.kernel,
        mesh=mesh,
        compiler_params=pltpu.CompilerParams(use_tc_tiling_on_sc=False),
        out_type=jax.ShapeDtypeStruct((B, E), jnp.float32),
        scratch_types=[
            pltpu.VMEM((bpw * L,), jnp.int32),
            pltpu.VMEM((_CB * L, E), jnp.float32),
            pltpu.VMEM((_CB * L, E), jnp.float32),
            pltpu.VMEM((bpw, E), jnp.float32),
            pltpu.SemaphoreType.DMA,
            pltpu.SemaphoreType.DMA,
        ],
    )
    def pool(xf_hbm, emb_hbm, out_hbm, idx_v, rows0, rows1, stage, s0, s1):
        wid = lax.axis_index("s") * nc + lax.axis_index("c")
        row0 = wid * bpw
        rows = [rows0, rows1]
        sems = [s0, s1]

        pltpu.sync_copy(xf_hbm.at[pl.ds(row0 * L, bpw * L)], idx_v)

        def start_gather(g, p):
            pltpu.async_copy(
                emb_hbm.at[idx_v.at[pl.ds(g * (_CB * L), _CB * L)]],
                rows[p], sems[p])

        def wait_gather(p):
            pltpu.make_async_copy(
                emb_hbm.at[idx_v.at[pl.ds(0, _CB * L)]],
                rows[p], sems[p]).wait()

        def reduce_chunk(g, p):
            rows_v = rows[p]

            def row_body(b, carry2):
                def j_body(j, acc):
                    r = b * L + j
                    return tuple(
                        acc[c] + rows_v[r, pl.ds(c * _LANES, _LANES)]
                        for c in range(ecols)
                    )

                zero = jnp.zeros((_LANES,), jnp.float32)
                acc = lax.fori_loop(0, L, j_body, (zero,) * ecols)
                w = g * _CB + b
                for c in range(ecols):
                    stage[w, pl.ds(c * _LANES, _LANES)] = acc[c]
                return carry2

            lax.fori_loop(0, _CB, row_body, 0)

        start_gather(0, 0)

        def pair(h, carry):
            g0 = 2 * h
            start_gather(g0 + 1, 1)
            wait_gather(0)
            reduce_chunk(g0, 0)

            @pl.when(h + 1 < nchunks // 2)
            def _():
                start_gather(g0 + 2, 0)

            wait_gather(1)
            reduce_chunk(g0 + 1, 1)
            return carry

        lax.fori_loop(0, nchunks // 2, pair, 0)
        pltpu.sync_copy(stage, out_hbm.at[pl.ds(row0, bpw)])

    return pool


@functools.lru_cache(maxsize=None)
def _make_mlp(B, E, H, O, L):
    bm = 2048

    def mlp_body(s_ref, w1_ref, b1_ref, w2_ref, b2_ref, o_ref):
        m = s_ref[...] * (1.0 / L)
        h = lax.dot(m, w1_ref[...], precision=lax.Precision.HIGHEST)
        h = jnp.maximum(h + b1_ref[...], 0.0)
        o_ref[...] = (
            lax.dot(h, w2_ref[...], precision=lax.Precision.HIGHEST) + b2_ref[...]
        )

    return pl.pallas_call(
        mlp_body,
        grid=(B // bm,),
        in_specs=[
            pl.BlockSpec((bm, E), lambda i: (i, 0)),
            pl.BlockSpec((E, H), lambda i: (0, 0)),
            pl.BlockSpec((1, H), lambda i: (0, 0)),
            pl.BlockSpec((H, O), lambda i: (0, 0)),
            pl.BlockSpec((1, O), lambda i: (0, 0)),
        ],
        out_specs=pl.BlockSpec((bm, O), lambda i: (i, 0)),
        out_shape=jax.ShapeDtypeStruct((B, O), jnp.float32),
    )


def kernel(x, emb, W1, b1, W2, b2):
    B, L = x.shape
    V, E = emb.shape
    H = W1.shape[1]
    O = W2.shape[1]
    pooled = _make_pool(B, L, E, V)(x.reshape(-1), emb)
    return _make_mlp(B, E, H, O, L)(
        pooled, W1, b1.reshape(1, H), W2, b2.reshape(1, O)
    )

# --- scband reference (transcript-rebuilt; emitter-appended) ---
"""Pipeline reference for scband-char-embedding-model-9380208574532 (READ-ONLY COPY).

The authoritative reference and input builder live on the scoring server;
editing this copy changes nothing except your own understanding.
"""

import jax, jax.numpy as jnp
import numpy as np

VOCAB = 1000000
EMB = 64
HID = 256
OUT = 1
B = 16384
L = 50

def setup_inputs(seed: int = 0) -> dict:
    key = jax.random.key(seed)
    k_idx, k_emb, k_w1, k_b1, k_w2, k_b2 = jax.random.split(key, 6)
    x = jax.random.randint(k_idx, (B, L), 0, VOCAB, dtype=jnp.int64 if jax.config.jax_enable_x64 else jnp.int32).astype(jnp.int32)
    emb = jax.random.normal(k_emb, (VOCAB, EMB), dtype=jnp.float32) * 0.02
    W1 = jax.random.normal(k_w1, (EMB, HID), dtype=jnp.float32) * (1.0 / np.sqrt(EMB))
    b1 = jnp.zeros((HID,), dtype=jnp.float32)
    W2 = jax.random.normal(k_w2, (HID, OUT), dtype=jnp.float32) * (1.0 / np.sqrt(HID))
    b2 = jnp.zeros((OUT,), dtype=jnp.float32)
    return {"x": x, "emb": emb, "W1": W1, "b1": b1, "W2": W2, "b2": b2}

def reference(x, emb, W1, b1, W2, b2):
    e = jnp.take(emb, x, axis=0)          # [B, L, EMB] gather (SparseCore embedding lookup)
    m = jnp.mean(e, axis=1)               # [B, EMB]
    h = jax.nn.relu(m @ W1 + b1)          # [B, HID]
    out = h @ W2 + b2                     # [B, OUT]
    return out

if __name__ == "__main__":
    import jax
    _d = setup_inputs()
    print(jax.jit(kernel)(*tuple(_d.values())))

</pallas_src>

<mosaic_0001>
#map = affine_map<(d0, d1) -> (0)>
#map1 = affine_map<(d0, d1) -> (0, 0)>
module attributes {stable_mosaic.version = 14 : i64} {
  func.func @pool(%arg0: i32, %arg1: i32, %arg2: memref<819200xi32, #tpu.memory_space<hbm>>, %arg3: memref<1000000x64xf32, #tpu.memory_space<hbm>>, %arg4: memref<16384x64xf32, #tpu.memory_space<hbm>>, %arg5: memref<25600xi32, #tpu.memory_space<vmem>>, %arg6: memref<400x64xf32, #tpu.memory_space<vmem>>, %arg7: memref<400x64xf32, #tpu.memory_space<vmem>>, %arg8: memref<512x64xf32, #tpu.memory_space<vmem>>, %arg9: memref<!tpu.dma_semaphore, #tpu.memory_space<semaphore_mem>>, %arg10: memref<!tpu.dma_semaphore, #tpu.memory_space<semaphore_mem>>) attributes {dimension_semantics = [#tpu.dimension_semantics<core_parallel>, #tpu.dimension_semantics<subcore_parallel>], iteration_bounds = array<i64: 2, 16>, scalar_prefetch = 0 : i64, scratch_operands = 6 : i64, tpu.core_type = #tpu.core_type<sc_vector_subcore>, window_params = [{transform_indices = #map}, {transform_indices = #map1}, {transform_indices = #map1}]} {
    %mul3A = arith.constant 2 : i32
    %mul3A_0 = arith.muli %arg1, %mul3A : i32
    %add3A = arith.addi %mul3A_0, %arg0 : i32
    %mul3A_1 = arith.constant 512 : i32
    %mul3A_2 = arith.muli %add3A, %mul3A_1 : i32
    %mul3A_3 = arith.constant 50 : i32
    %mul3A_4 = arith.muli %mul3A_2, %mul3A_3 : i32
    "tpu.region"() ({
      %run_scoped3A = tpu.sem_alloc : memref<!tpu.dma_semaphore, #tpu.memory_space<semaphore_mem>>
      %dma_start3A_14 = tpu.memref_slice %arg2[%mul3A_4] : memref<819200xi32, #tpu.memory_space<hbm>> -> memref<25600xi32, #tpu.memory_space<hbm>>
      %dma_start3A_15 = tpu.memref_slice %arg2[%mul3A_4] : memref<819200xi32, #tpu.memory_space<hbm>> -> memref<25600xi32, #tpu.memory_space<hbm>>
      tpu.enqueue_dma source(%dma_start3A_15 : memref<25600xi32, #tpu.memory_space<hbm>>) target(%arg5 : memref<25600xi32, #tpu.memory_space<vmem>>) target_semaphore(%run_scoped3A : memref<!tpu.dma_semaphore, #tpu.memory_space<semaphore_mem>>)
      %dma_wait3A = tpu.memref_slice %arg2[%mul3A_4] : memref<819200xi32, #tpu.memory_space<hbm>> -> memref<25600xi32, #tpu.memory_space<hbm>>
      %dma_wait3A_16 = tpu.memref_slice %arg2[%mul3A_4] : memref<819200xi32, #tpu.memory_space<hbm>> -> memref<25600xi32, #tpu.memory_space<hbm>>
      tpu.wait_dma2 semaphore(%run_scoped3A : memref<!tpu.dma_semaphore, #tpu.memory_space<semaphore_mem>>) src(%dma_wait3A_16 : memref<25600xi32, #tpu.memory_space<hbm>>) dst(%arg5 : memref<25600xi32, #tpu.memory_space<vmem>>)
      tpu.yield
    }) : () -> ()
    %dma_start3A = arith.constant 0 : i32
    %dma_start3A_5 = tpu.memref_slice %arg5[%dma_start3A] : memref<25600xi32, #tpu.memory_space<vmem>> -> memref<400xi32, #tpu.memory_space<vmem>>
    %dma_start3A_6 = arith.constant 0 : i32
    %dma_start3A_7 = arith.constant 0 : i32
    %dma_start3A_8 = tpu.memref_slice %arg3[%dma_start3A_6, %dma_start3A_7] : memref<1000000x64xf32, #tpu.memory_space<hbm>> -> memref<1000000x64xf32, #tpu.memory_space<hbm>>
    tpu.enqueue_indirect_dma source(%dma_start3A_8 : memref<1000000x64xf32, #tpu.memory_space<hbm>>) target(%arg6 : memref<400x64xf32, #tpu.memory_space<vmem>>) offsets(%dma_start3A_5 : memref<400xi32, #tpu.memory_space<vmem>>) semaphore(%arg9 : memref<!tpu.dma_semaphore, #tpu.memory_space<semaphore_mem>>)
    %scan3A = arith.constant 0 : i32
    %scan3A_9 = arith.constant 0 : i32
    %scan3A_10 = arith.constant 32 : i32
    %scan3A_11 = arith.addi %scan3A_9, %scan3A_10 : i32
    %scan3A_12 = arith.constant 1 : i32
    scf.for %scan3A_14 = %scan3A_9 to %scan3A_11 step %scan3A_12  : i32 {
      %mul3A_15 = arith.constant 2 : i32
      %mul3A_16 = arith.muli %mul3A_15, %scan3A_14 : i32
      %add3A_17 = arith.constant 1 : i32
      %add3A_18 = arith.addi %mul3A_16, %add3A_17 : i32
      %mul3A_19 = arith.constant 400 : i32
      %mul3A_20 = arith.muli %add3A_18, %mul3A_19 : i32
      %dma_start3A_21 = tpu.memref_slice %arg5[%mul3A_20] : memref<25600xi32, #tpu.memory_space<vmem>> -> memref<400xi32, #tpu.memory_space<vmem>>
      %dma_start3A_22 = arith.constant 0 : i32
      %dma_start3A_23 = arith.constant 0 : i32
      %dma_start3A_24 = tpu.memref_slice %arg3[%dma_start3A_22, %dma_start3A_23] : memref<1000000x64xf32, #tpu.memory_space<hbm>> -> memref<1000000x64xf32, #tpu.memory_space<hbm>>
      tpu.enqueue_indirect_dma source(%dma_start3A_24 : memref<1000000x64xf32, #tpu.memory_space<hbm>>) target(%arg7 : memref<400x64xf32, #tpu.memory_space<vmem>>) offsets(%dma_start3A_21 : memref<400xi32, #tpu.memory_space<vmem>>) semaphore(%arg10 : memref<!tpu.dma_semaphore, #tpu.memory_space<semaphore_mem>>)
      %dma_wait3A = arith.constant 0 : i32
      %dma_wait3A_25 = tpu.memref_slice %arg5[%dma_wait3A] : memref<25600xi32, #tpu.memory_space<vmem>> -> memref<400xi32, #tpu.memory_space<vmem>>
      %dma_wait3A_26 = arith.constant 0 : i32
      %dma_wait3A_27 = arith.constant 0 : i32
      %dma_wait3A_28 = tpu.memref_slice %arg3[%dma_wait3A_26, %dma_wait3A_27] : memref<1000000x64xf32, #tpu.memory_space<hbm>> -> memref<1000000x64xf32, #tpu.memory_space<hbm>>
      tpu.wait_indirect_dma semaphore(%arg9 : memref<!tpu.dma_semaphore, #tpu.memory_space<semaphore_mem>>) src(%dma_wait3A_28 : memref<1000000x64xf32, #tpu.memory_space<hbm>>) dst(%arg6 : memref<400x64xf32, #tpu.memory_space<vmem>>)
      %scan3A_29 = arith.constant 0 : i32
      %scan3A_30 = arith.constant 0 : i32
      %scan3A_31 = arith.constant 8 : i32
      %scan3A_32 = arith.addi %scan3A_30, %scan3A_31 : i32
      %scan3A_33 = arith.constant 1 : i32
      scf.for %scan3A_52 = %scan3A_30 to %scan3A_32 step %scan3A_33  : i32 {
        %broadcast_in_dim3A = arith.constant 0.000000e+00 : f32
        %broadcast_in_dim3A_53 = vector.broadcast %broadcast_in_dim3A : f32 to vector<16xf32>
        %scan3A_54 = arith.constant 0 : i32
        %scan3A_55 = arith.constant 50 : i32
        %scan3A_56 = arith.addi %scan3A_54, %scan3A_55 : i32
        %scan3A_57 = arith.constant 1 : i32
        %scan3A_58:4 = scf.for %scan3A_82 = %scan3A_54 to %scan3A_56 step %scan3A_57 iter_args(%scan3A_83 = %broadcast_in_dim3A_53, %scan3A_84 = %broadcast_in_dim3A_53, %scan3A_85 = %broadcast_in_dim3A_53, %scan3A_86 = %broadcast_in_dim3A_53) -> (vector<16xf32>, vector<16xf32>, vector<16xf32>, vector<16xf32>)  : i32 {
          %mul3A_87 = arith.constant 50 : i32
          %mul3A_88 = arith.muli %scan3A_52, %mul3A_87 : i32
          %add3A_89 = arith.addi %mul3A_88, %scan3A_82 : i32
          %get3A = arith.index_cast %add3A_89 : i32 to index
          %get3A_90 = arith.constant 0 : index
          %get3A_91 = tpu.vector_load %arg6[%get3A, %get3A_90] {strides = array<i32>} : memref<400x64xf32, #tpu.memory_space<vmem>>, vector<1x16xf32>,
          %get3A_92 = vector.shape_cast %get3A_91 : vector<1x16xf32> to vector<16xf32>
          %add3A_93 = arith.addf %scan3A_83, %get3A_92 : vector<16xf32>
          %get3A_94 = arith.index_cast %add3A_89 : i32 to index
          %get3A_95 = arith.constant 16 : index
          %get3A_96 = tpu.vector_load %arg6[%get3A_94, %get3A_95] {strides = array<i32>} : memref<400x64xf32, #tpu.memory_space<vmem>>, vector<1x16xf32>,
          %get3A_97 = vector.shape_cast %get3A_96 : vector<1x16xf32> to vector<16xf32>
          %add3A_98 = arith.addf %scan3A_84, %get3A_97 : vector<16xf32>
          %get3A_99 = arith.index_cast %add3A_89 : i32 to index
          %get3A_100 = arith.constant 32 : index
          %get3A_101 = tpu.vector_load %arg6[%get3A_99, %get3A_100] {strides = array<i32>} : memref<400x64xf32, #tpu.memory_space<vmem>>, vector<1x16xf32>,
          %get3A_102 = vector.shape_cast %get3A_101 : vector<1x16xf32> to vector<16xf32>
          %add3A_103 = arith.addf %scan3A_85, %get3A_102 : vector<16xf32>
          %get3A_104 = arith.index_cast %add3A_89 : i32 to index
          %get3A_105 = arith.constant 48 : index
          %get3A_106 = tpu.vector_load %arg6[%get3A_104, %get3A_105] {strides = array<i32>} : memref<400x64xf32, #tpu.memory_space<vmem>>, vector<1x16xf32>,
          %get3A_107 = vector.shape_cast %get3A_106 : vector<1x16xf32> to vector<16xf32>
          %add3A_108 = arith.addf %scan3A_86, %get3A_107 : vector<16xf32>
          scf.yield %add3A_93, %add3A_98, %add3A_103, %add3A_108 : vector<16xf32>, vector<16xf32>, vector<16xf32>, vector<16xf32>
        }
        %scan3A_59 = arith.constant 50 : i32
        %mul3A_60 = arith.constant 8 : i32
        %mul3A_61 = arith.muli %mul3A_16, %mul3A_60 : i32
        %add3A_62 = arith.addi %mul3A_61, %scan3A_52 : i32
        %swap3A = arith.index_cast %add3A_62 : i32 to index
        %swap3A_63 = arith.constant 0 : index
        %swap3A_64 = tpu.vector_load %arg8[%swap3A, %swap3A_63] {strides = array<i32>} : memref<512x64xf32, #tpu.memory_space<vmem>>, vector<1x16xf32>,
        %swap3A_65 = vector.shape_cast %swap3A_64 : vector<1x16xf32> to vector<16xf32>
        %swap3A_66 = vector.shape_cast %scan3A_58#0 : vector<16xf32> to vector<1x16xf32>
        tpu.vector_store %arg8[%swap3A, %swap3A_63], %swap3A_66 {strides = array<i32>} : memref<512x64xf32, #tpu.memory_space<vmem>>, vector<1x16xf32>,
        %swap3A_67 = arith.index_cast %add3A_62 : i32 to index
        %swap3A_68 = arith.constant 16 : index
        %swap3A_69 = tpu.vector_load %arg8[%swap3A_67, %swap3A_68] {strides = array<i32>} : memref<512x64xf32, #tpu.memory_space<vmem>>, vector<1x16xf32>,
        %swap3A_70 = vector.shape_cast %swap3A_69 : vector<1x16xf32> to vector<16xf32>
        %swap3A_71 = vector.shape_cast %scan3A_58#1 : vector<16xf32> to vector<1x16xf32>
        tpu.vector_store %arg8[%swap3A_67, %swap3A_68], %swap3A_71 {strides = array<i32>} : memref<512x64xf32, #tpu.memory_space<vmem>>, vector<1x16xf32>,
        %swap3A_72 = arith.index_cast %add3A_62 : i32 to index
        %swap3A_73 = arith.constant 32 : index
        %swap3A_74 = tpu.vector_load %arg8[%swap3A_72, %swap3A_73] {strides = array<i32>} : memref<512x64xf32, #tpu.memory_space<vmem>>, vector<1x16xf32>,
        %swap3A_75 = vector.shape_cast %swap3A_74 : vector<1x16xf32> to vector<16xf32>
        %swap3A_76 = vector.shape_cast %scan3A_58#2 : vector<16xf32> to vector<1x16xf32>
        tpu.vector_store %arg8[%swap3A_72, %swap3A_73], %swap3A_76 {strides = array<i32>} : memref<512x64xf32, #tpu.memory_space<vmem>>, vector<1x16xf32>,
        %swap3A_77 = arith.index_cast %add3A_62 : i32 to index
        %swap3A_78 = arith.constant 48 : index
        %swap3A_79 = tpu.vector_load %arg8[%swap3A_77, %swap3A_78] {strides = array<i32>} : memref<512x64xf32, #tpu.memory_space<vmem>>, vector<1x16xf32>,
        %swap3A_80 = vector.shape_cast %swap3A_79 : vector<1x16xf32> to vector<16xf32>
        %swap3A_81 = vector.shape_cast %scan3A_58#3 : vector<16xf32> to vector<1x16xf32>
        tpu.vector_store %arg8[%swap3A_77, %swap3A_78], %swap3A_81 {strides = array<i32>} : memref<512x64xf32, #tpu.memory_space<vmem>>, vector<1x16xf32>,
      }
      %scan3A_34 = arith.constant 8 : i32
      %add3A_35 = arith.constant 1 : i32
      %add3A_36 = arith.addi %scan3A_14, %add3A_35 : i32
      %lt3A = arith.constant 32 : i32
      %lt3A_37 = arith.cmpi slt, %add3A_36, %lt3A : i32
      %convert_element_type3A = arith.extui %lt3A_37 : i1 to i32
      %cond3A = arith.constant 0 : i32
      %cond3A_38 = arith.cmpi ne, %convert_element_type3A, %cond3A : i32
      scf.if %cond3A_38 {
        %add3A_52 = arith.constant 2 : i32
        %add3A_53 = arith.addi %mul3A_16, %add3A_52 : i32
        %mul3A_54 = arith.constant 400 : i32
        %mul3A_55 = arith.muli %add3A_53, %mul3A_54 : i32
        %dma_start3A_56 = tpu.memref_slice %arg5[%mul3A_55] : memref<25600xi32, #tpu.memory_space<vmem>> -> memref<400xi32, #tpu.memory_space<vmem>>
        %dma_start3A_57 = arith.constant 0 : i32
        %dma_start3A_58 = arith.constant 0 : i32
        %dma_start3A_59 = tpu.memref_slice %arg3[%dma_start3A_57, %dma_start3A_58] : memref<1000000x64xf32, #tpu.memory_space<hbm>> -> memref<1000000x64xf32, #tpu.memory_space<hbm>>
        tpu.enqueue_indirect_dma source(%dma_start3A_59 : memref<1000000x64xf32, #tpu.memory_space<hbm>>) target(%arg6 : memref<400x64xf32, #tpu.memory_space<vmem>>) offsets(%dma_start3A_56 : memref<400xi32, #tpu.memory_space<vmem>>) semaphore(%arg9 : memref<!tpu.dma_semaphore, #tpu.memory_space<semaphore_mem>>)
      } else {
      }
      %dma_wait3A_39 = arith.constant 0 : i32
      %dma_wait3A_40 = tpu.memref_slice %arg5[%dma_wait3A_39] : memref<25600xi32, #tpu.memory_space<vmem>> -> memref<400xi32, #tpu.memory_space<vmem>>
      %dma_wait3A_41 = arith.constant 0 : i32
      %dma_wait3A_42 = arith.constant 0 : i32
      %dma_wait3A_43 = tpu.memref_slice %arg3[%dma_wait3A_41, %dma_wait3A_42] : memref<1000000x64xf32, #tpu.memory_space<hbm>> -> memref<1000000x64xf32, #tpu.memory_space<hbm>>
      tpu.wait_indirect_dma semaphore(%arg10 : memref<!tpu.dma_semaphore, #tpu.memory_space<semaphore_mem>>) src(%dma_wait3A_43 : memref<1000000x64xf32, #tpu.memory_space<hbm>>) dst(%arg7 : memref<400x64xf32, #tpu.memory_space<vmem>>)
      %add3A_44 = arith.constant 1 : i32
      %add3A_45 = arith.addi %mul3A_16, %add3A_44 : i32
      %scan3A_46 = arith.constant 0 : i32
      %scan3A_47 = arith.constant 0 : i32
      %scan3A_48 = arith.constant 8 : i32
      %scan3A_49 = arith.addi %scan3A_47, %scan3A_48 : i32
      %scan3A_50 = arith.constant 1 : i32
      scf.for %scan3A_52 = %scan3A_47 to %scan3A_49 step %scan3A_50  : i32 {
        %broadcast_in_dim3A = arith.constant 0.000000e+00 : f32
        %broadcast_in_dim3A_53 = vector.broadcast %broadcast_in_dim3A : f32 to vector<16xf32>
        %scan3A_54 = arith.constant 0 : i32
        %scan3A_55 = arith.constant 50 : i32
        %scan3A_56 = arith.addi %scan3A_54, %scan3A_55 : i32
        %scan3A_57 = arith.constant 1 : i32
        %scan3A_58:4 = scf.for %scan3A_82 = %scan3A_54 to %scan3A_56 step %scan3A_57 iter_args(%scan3A_83 = %broadcast_in_dim3A_53, %scan3A_84 = %broadcast_in_dim3A_53, %scan3A_85 = %broadcast_in_dim3A_53, %scan3A_86 = %broadcast_in_dim3A_53) -> (vector<16xf32>, vector<16xf32>, vector<16xf32>, vector<16xf32>)  : i32 {
          %mul3A_87 = arith.constant 50 : i32
          %mul3A_88 = arith.muli %scan3A_52, %mul3A_87 : i32
          %add3A_89 = arith.addi %mul3A_88, %scan3A_82 : i32
          %get3A = arith.index_cast %add3A_89 : i32 to index
          %get3A_90 = arith.constant 0 : index
          %get3A_91 = tpu.vector_load %arg7[%get3A, %get3A_90] {strides = array<i32>} : memref<400x64xf32, #tpu.memory_space<vmem>>, vector<1x16xf32>,
          %get3A_92 = vector.shape_cast %get3A_91 : vector<1x16xf32> to vector<16xf32>
          %add3A_93 = arith.addf %scan3A_83, %get3A_92 : vector<16xf32>
          %get3A_94 = arith.index_cast %add3A_89 : i32 to index
          %get3A_95 = arith.constant 16 : index
          %get3A_96 = tpu.vector_load %arg7[%get3A_94, %get3A_95] {strides = array<i32>} : memref<400x64xf32, #tpu.memory_space<vmem>>, vector<1x16xf32>,
          %get3A_97 = vector.shape_cast %get3A_96 : vector<1x16xf32> to vector<16xf32>
          %add3A_98 = arith.addf %scan3A_84, %get3A_97 : vector<16xf32>
          %get3A_99 = arith.index_cast %add3A_89 : i32 to index
          %get3A_100 = arith.constant 32 : index
          %get3A_101 = tpu.vector_load %arg7[%get3A_99, %get3A_100] {strides = array<i32>} : memref<400x64xf32, #tpu.memory_space<vmem>>, vector<1x16xf32>,
          %get3A_102 = vector.shape_cast %get3A_101 : vector<1x16xf32> to vector<16xf32>
          %add3A_103 = arith.addf %scan3A_85, %get3A_102 : vector<16xf32>
          %get3A_104 = arith.index_cast %add3A_89 : i32 to index
          %get3A_105 = arith.constant 48 : index
          %get3A_106 = tpu.vector_load %arg7[%get3A_104, %get3A_105] {strides = array<i32>} : memref<400x64xf32, #tpu.memory_space<vmem>>, vector<1x16xf32>,
          %get3A_107 = vector.shape_cast %get3A_106 : vector<1x16xf32> to vector<16xf32>
          %add3A_108 = arith.addf %scan3A_86, %get3A_107 : vector<16xf32>
          scf.yield %add3A_93, %add3A_98, %add3A_103, %add3A_108 : vector<16xf32>, vector<16xf32>, vector<16xf32>, vector<16xf32>
        }
        %scan3A_59 = arith.constant 50 : i32
        %mul3A_60 = arith.constant 8 : i32
        %mul3A_61 = arith.muli %add3A_45, %mul3A_60 : i32
        %add3A_62 = arith.addi %mul3A_61, %scan3A_52 : i32
        %swap3A = arith.index_cast %add3A_62 : i32 to index
        %swap3A_63 = arith.constant 0 : index
        %swap3A_64 = tpu.vector_load %arg8[%swap3A, %swap3A_63] {strides = array<i32>} : memref<512x64xf32, #tpu.memory_space<vmem>>, vector<1x16xf32>,
        %swap3A_65 = vector.shape_cast %swap3A_64 : vector<1x16xf32> to vector<16xf32>
        %swap3A_66 = vector.shape_cast %scan3A_58#0 : vector<16xf32> to vector<1x16xf32>
        tpu.vector_store %arg8[%swap3A, %swap3A_63], %swap3A_66 {strides = array<i32>} : memref<512x64xf32, #tpu.memory_space<vmem>>, vector<1x16xf32>,
        %swap3A_67 = arith.index_cast %add3A_62 : i32 to index
        %swap3A_68 = arith.constant 16 : index
        %swap3A_69 = tpu.vector_load %arg8[%swap3A_67, %swap3A_68] {strides = array<i32>} : memref<512x64xf32, #tpu.memory_space<vmem>>, vector<1x16xf32>,
        %swap3A_70 = vector.shape_cast %swap3A_69 : vector<1x16xf32> to vector<16xf32>
        %swap3A_71 = vector.shape_cast %scan3A_58#1 : vector<16xf32> to vector<1x16xf32>
        tpu.vector_store %arg8[%swap3A_67, %swap3A_68], %swap3A_71 {strides = array<i32>} : memref<512x64xf32, #tpu.memory_space<vmem>>, vector<1x16xf32>,
        %swap3A_72 = arith.index_cast %add3A_62 : i32 to index
        %swap3A_73 = arith.constant 32 : index
        %swap3A_74 = tpu.vector_load %arg8[%swap3A_72, %swap3A_73] {strides = array<i32>} : memref<512x64xf32, #tpu.memory_space<vmem>>, vector<1x16xf32>,
        %swap3A_75 = vector.shape_cast %swap3A_74 : vector<1x16xf32> to vector<16xf32>
        %swap3A_76 = vector.shape_cast %scan3A_58#2 : vector<16xf32> to vector<1x16xf32>
        tpu.vector_store %arg8[%swap3A_72, %swap3A_73], %swap3A_76 {strides = array<i32>} : memref<512x64xf32, #tpu.memory_space<vmem>>, vector<1x16xf32>,
        %swap3A_77 = arith.index_cast %add3A_62 : i32 to index
        %swap3A_78 = arith.constant 48 : index
        %swap3A_79 = tpu.vector_load %arg8[%swap3A_77, %swap3A_78] {strides = array<i32>} : memref<512x64xf32, #tpu.memory_space<vmem>>, vector<1x16xf32>,
        %swap3A_80 = vector.shape_cast %swap3A_79 : vector<1x16xf32> to vector<16xf32>
        %swap3A_81 = vector.shape_cast %scan3A_58#3 : vector<16xf32> to vector<1x16xf32>
        tpu.vector_store %arg8[%swap3A_77, %swap3A_78], %swap3A_81 {strides = array<i32>} : memref<512x64xf32, #tpu.memory_space<vmem>>, vector<1x16xf32>,
      }
      %scan3A_51 = arith.constant 8 : i32
    }
    %scan3A_13 = arith.constant 32 : i32
    "tpu.region"() ({
      %run_scoped3A = tpu.sem_alloc : memref<!tpu.dma_semaphore, #tpu.memory_space<semaphore_mem>>
      %dma_start3A_14 = arith.constant 0 : i32
      %dma_start3A_15 = tpu.memref_slice %arg4[%mul3A_2, %dma_start3A_14] : memref<16384x64xf32, #tpu.memory_space<hbm>> -> memref<512x64xf32, #tpu.memory_space<hbm>>
      %dma_start3A_16 = arith.constant 0 : i32
      %dma_start3A_17 = tpu.memref_slice %arg4[%mul3A_2, %dma_start3A_16] : memref<16384x64xf32, #tpu.memory_space<hbm>> -> memref<512x64xf32, #tpu.memory_space<hbm>>
      tpu.enqueue_dma source(%arg8 : memref<512x64xf32, #tpu.memory_space<vmem>>) target(%dma_start3A_17 : memref<512x64xf32, #tpu.memory_space<hbm>>) target_semaphore(%run_scoped3A : memref<!tpu.dma_semaphore, #tpu.memory_space<semaphore_mem>>)
      %dma_wait3A = arith.constant 0 : i32
      %dma_wait3A_18 = tpu.memref_slice %arg4[%mul3A_2, %dma_wait3A] : memref<16384x64xf32, #tpu.memory_space<hbm>> -> memref<512x64xf32, #tpu.memory_space<hbm>>
      %dma_wait3A_19 = arith.constant 0 : i32
      %dma_wait3A_20 = tpu.memref_slice %arg4[%mul3A_2, %dma_wait3A_19] : memref<16384x64xf32, #tpu.memory_space<hbm>> -> memref<512x64xf32, #tpu.memory_space<hbm>>
      tpu.wait_dma2 semaphore(%run_scoped3A : memref<!tpu.dma_semaphore, #tpu.memory_space<semaphore_mem>>) src(%arg8 : memref<512x64xf32, #tpu.memory_space<vmem>>) dst(%dma_wait3A_20 : memref<512x64xf32, #tpu.memory_space<hbm>>)
      tpu.yield
    }) : () -> ()
    return
  }
}

module attributes {stable_mosaic.version = 14 : i64} {
  func.func @mlp_body(%arg0: i32, %arg1: memref<2048x64xf32, #tpu.memory_space<vmem>>, %arg2: memref<64x256xf32, #tpu.memory_space<vmem>>, %arg3: memref<1x256xf32, #tpu.memory_space<vmem>>, %arg4: memref<256x1xf32, #tpu.memory_space<vmem>>, %arg5: memref<1x1xf32, #tpu.memory_space<vmem>>, %arg6: memref<2048x1xf32, #tpu.memory_space<vmem>>) attributes {dimension_semantics = [#tpu.dimension_semantics<arbitrary>], iteration_bounds = array<i64: 8>, scalar_prefetch = 0 : i64, scratch_operands = 0 : i64, tpu.core_type = #tpu.core_type<tc>, window_params = [{transform_indices = @transform_0, window_bounds = array<i64: 2048, 64>}, {pipeline_mode = #tpu.pipeline_mode<synchronous>, transform_indices = @transform_1, window_bounds = array<i64: 64, 256>}, {pipeline_mode = #tpu.pipeline_mode<synchronous>, transform_indices = @transform_2, window_bounds = array<i64: 1, 256>}, {pipeline_mode = #tpu.pipeline_mode<synchronous>, transform_indices = @transform_3, window_bounds = array<i64: 256, 1>}, {pipeline_mode = #tpu.pipeline_mode<synchronous>, transform_indices = @transform_4, window_bounds = array<i64: 1, 1>}, {transform_indices = @transform_5, window_bounds = array<i64: 2048, 1>}]} {
    %get3A = arith.constant 0 : index
    %get3A_0 = arith.constant 0 : index
    %get3A_1 = vector.load %arg1[%get3A, %get3A_0] : memref<2048x64xf32, #tpu.memory_space<vmem>>, vector<2048x64xf32>
    %mul3A = arith.constant 2.000000e-02 : f32
    %mul3A_2 = vector.broadcast %mul3A : f32 to vector<2048x64xf32>
    %mul3A_3 = arith.mulf %get3A_1, %mul3A_2 : vector<2048x64xf32>
    %get3A_4 = arith.constant 0 : index
    %get3A_5 = arith.constant 0 : index
    %get3A_6 = vector.load %arg2[%get3A_4, %get3A_5] : memref<64x256xf32, #tpu.memory_space<vmem>>, vector<64x256xf32>
    %dot_general3A = arith.constant dense<0.000000e+00> : vector<2048x256xf32>
    %dot_general3A_7 = tpu.matmul %mul3A_3, %get3A_6, %dot_general3A {dimension_numbers = #tpu.dot_dimension_numbers<[1], [0], [0], [1], [0, 0, 1, 1], [], []>, precision = #tpu.contract_precision<fp32>, transpose_lhs_hint = false} : vector<2048x64xf32>, vector<64x256xf32>, vector<2048x256xf32> -> vector<2048x256xf32>
    %get3A_8 = arith.constant 0 : index
    %get3A_9 = arith.constant 0 : index
    %get3A_10 = vector.load %arg3[%get3A_8, %get3A_9] : memref<1x256xf32, #tpu.memory_space<vmem>>, vector<1x256xf32>
    %add3A = vector.broadcast %get3A_10 : vector<1x256xf32> to vector<2048x256xf32>
    %add3A_11 = arith.addf %dot_general3A_7, %add3A : vector<2048x256xf32>
    %max3A = arith.constant 0.000000e+00 : f32
    %max3A_12 = vector.broadcast %max3A : f32 to vector<2048x256xf32>
    %max3A_13 = arith.maximumf %add3A_11, %max3A_12 : vector<2048x256xf32>
    %get3A_14 = arith.constant 0 : index
    %get3A_15 = arith.constant 0 : index
    %get3A_16 = vector.load %arg4[%get3A_14, %get3A_15] : memref<256x1xf32, #tpu.memory_space<vmem>>, vector<256x1xf32>
    %dot_general3A_17 = arith.constant dense<0.000000e+00> : vector<2048x1xf32>
    %dot_general3A_18 = tpu.matmul %max3A_13, %get3A_16, %dot_general3A_17 {dimension_numbers = #tpu.dot_dimension_numbers<[1], [0], [0], [1], [0, 0, 1, 1], [], []>, precision = #tpu.contract_precision<fp32>, transpose_lhs_hint = false} : vector<2048x256xf32>, vector<256x1xf32>, vector<2048x1xf32> -> vector<2048x1xf32>
    %get3A_19 = arith.constant 0 : index
    %get3A_20 = arith.constant 0 : index
    %get3A_21 = vector.load %arg5[%get3A_19, %get3A_20] : memref<1x1xf32, #tpu.memory_space<vmem>>, vector<1x1xf32>
    %add3A_22 = vector.broadcast %get3A_21 : vector<1x1xf32> to vector<2048x1xf32>
    %add3A_23 = arith.addf %dot_general3A_18, %add3A_22 : vector<2048x1xf32>
    %swap3A = arith.constant 0 : index
    %swap3A_24 = arith.constant 0 : index
    %swap3A_25 = vector.load %arg6[%swap3A, %swap3A_24] : memref<2048x1xf32, #tpu.memory_space<vmem>>, vector<2048x1xf32>
    tpu.vector_store %arg6[%swap3A, %swap3A_24], %add3A_23 {strides = array<i32>} : memref<2048x1xf32, #tpu.memory_space<vmem>>, vector<2048x1xf32>,
    return
  }
  func.func @transform_0(%arg0: i32) -> (i32, i32) {
    %c0_i32 = arith.constant 0 : i32
    %c0_i32_0 = arith.constant 0 : i32
    return %arg0, %c0_i32 : i32, i32
  }
  func.func @transform_1(%arg0: i32) -> (i32, i32) {
    %c0_i32 = arith.constant 0 : i32
    %c0_i32_0 = arith.constant 0 : i32
    %c0_i32_1 = arith.constant 0 : i32
    return %c0_i32, %c0_i32_0 : i32, i32
  }
  func.func @transform_2(%arg0: i32) -> (i32, i32) {
    %c0_i32 = arith.constant 0 : i32
    %c0_i32_0 = arith.constant 0 : i32
    %c0_i32_1 = arith.constant 0 : i32
    return %c0_i32, %c0_i32_0 : i32, i32
  }
  func.func @transform_3(%arg0: i32) -> (i32, i32) {
    %c0_i32 = arith.constant 0 : i32
    %c0_i32_0 = arith.constant 0 : i32
    %c0_i32_1 = arith.constant 0 : i32
    return %c0_i32, %c0_i32_0 : i32, i32
  }
  func.func @transform_4(%arg0: i32) -> (i32, i32) {
    %c0_i32 = arith.constant 0 : i32
    %c0_i32_0 = arith.constant 0 : i32
    %c0_i32_1 = arith.constant 0 : i32
    return %c0_i32, %c0_i32_0 : i32, i32
  }
  func.func @transform_5(%arg0: i32) -> (i32, i32) {
    %c0_i32 = arith.constant 0 : i32
    %c0_i32_0 = arith.constant 0 : i32
    return %arg0, %c0_i32 : i32, i32
  }
}

</mosaic_0001>

<sc_bundles>
// kernel: kernel.4.cloned.1.call-start
scs
__scs_entry_jumppad:
0x0: {  	(pc) =	sbr.rel $0x88, $3  }
0x1: {  	(tag) =	ssettag $0x0;
	lr =	simm.s32 $0x1  }
0x2: {  	[smem:$0x3F9B] =	sst lr;
	_ =	strace $0xD0000000  }
0x3: {  	_ = 	snop  }
0x4: {  	_ = 	snop  }
0x5: {  	_ = 	snop  }
0x6: {  	_ = 	snop  }
0x7: {  	_ = 	snop  }
__scs_overlays_trampoline_lowered:
0x8: {  	[smem:$0x3FAA] =	sst s0  }
0x9: {  	[smem:$0x3FAB] =	sst s1  }
0xa: {  	[smem:$0x3FAC] =	sst s2  }
0xb: {  	[smem:$0x3FAD] =	sst s3  }
0xc: {  	[smem:$0x3FAE] =	sst s4  }
0xd: {  	[smem:$0x3FAF] =	sst s5  }
0xe: {  	[smem:$0x3FB0] =	sst s6  }
0xf: {  	[smem:$0x3FB1] =	sst s7  }
0x10: {  	[smem:$0x3FB2] =	sst s8  }
0x11: {  	[smem:$0x3FB3] =	sst s9;
	s0 =	simm.s32 @!p0 $0x0  }
0x12: {  	s1 =	sld [smem:$0x3F99];
	s0 =	simm.s32 @p0 $0x1  }
0x13: {  	[smem:$0x3FB4] =	sst s0;
	s0 =	simm.s32 @!p1 $0x0  }
0x14: {  	s2 =	sld [smem:$0x3F98];
	s0 =	simm.s32 @p1 $0x1  }
0x15: {  	[smem:$0x3FB5] =	sst s0;
	s0 =	simm.s32 @!p2 $0x0  }
0x16: {  	s3 =	sld [smem:$0x3FDB];
	s0 =	simm.s32 @p2 $0x1  }
0x17: {  	s4 =	simm.s32 $0x1BF5;
	[smem:$0x3FB7] =	sst s0  }
0x18: {  	s0 =	sld [smem:$0x3F9A];
	_ =	swait.ge [sflag:s4], $0x0  }
0x19: {  	s7 =	sld [smem:$0x3F9B]  }
0x1a: {  	s8 =	sadd.s32 $0xFFFFE003, lr  }
0x1b: {  	s9 =	sadd.s32 $0xFFFFFEF7, lr;
	s5 =	simm.s32 $0xFFFFFFFF;
	p2 =	slt.u32 s8, $0xFFFFF086  }
0x1c: {  	p1 =	slt.u32 s9, $0xF7A;
	s5 =	simm.s32 @!p2 $0x0  }
0x1d: {  	s5 =	simm.s32 @p1 $0x1;
	p0 =	seq.s32 s7, s2  }
0x1e: {  	s7 =	smul.u32 @!p0 $0xF7A, s2;
	p2 =	seq.s32 @!p0 s5, $0x0  }
0x1f: {  	s9 =	smul.u32 $0xF7A, s1;
	s8 =	simm.s32 @!p0 $0x1BF5;
	p2 =	por !p2, p0  }
0x20: {  	[sflag:s8] =	ssyncset.s32 @!p0 $0xFFFFF086;
	s6 =	sadd.s32 @!p0 s3, s7;
	s7 =	simm.s32 @!p0 $0x108  }
0x21: {  	s3 =	sadd.s32 s3, s9;
	s6 =	sadd.s32 @!p0 $0x88, s6;
	s7 =	simm.s32 @p2 $0x1082  }
0x22: {  	[simem:s7], [sflag:s8] =	dma.local @!p0 [hbm:s6], $0xF7A  }
0x23: {  	s9 =	sor.u32 $0xD0000000, s2;
	s6 =	simm.s32 $0x108;
	_ =	swait.ge @!p0 [sflag:s8], $0x0  }
0x24: {  	s3 =	sadd.s32 $0x88, s3;
	s6 =	simm.s32 @!p1 $0x1082;
	[sflag:s4] =	ssyncset.s32 $0xFFFFF086  }
0x25: {  	[simem:s6], [sflag:s4] =	dma.local [hbm:s3], $0xF7A  }
0x26: {  	[smem:$0x3F9B] =	sst s1;
	(tag) =	ssettag s2;
	_ =	strace s9  }
0x27: {  	s1 =	sld [smem:$0x3FAB]  }
0x28: {  	s2 =	sld [smem:$0x3FAC]  }
0x29: {  	s4 =	sld [smem:$0x3FAE]  }
0x2a: {  	p0 =	seq.s32 s5, $0x0;
	s5 =	sld [smem:$0x3FAF]  }
0x2b: {  	s6 =	sld [smem:$0x3FB0]  }
0x2c: {  	s7 =	sld [smem:$0x3FB1]  }
0x2d: {  	s3 =	simm.s32 $0x108;
	s8 =	sld [smem:$0x3FB2]  }
0x2e: {  	s3 =	simm.s32 @!p0 $0x1082;
	s9 =	sld [smem:$0x3FB3]  }
0x2f: {  	lr =	sadd.s32 s0, s3;
	s0 =	sld [smem:$0x3FAA]  }
0x30: {  	s3 =	sld [smem:$0x3FAD]  }
0x31: {  	[smem:$0x3FB6] =	sst s10  }
0x32: {  	s10 =	sld [smem:$0x3FB4];
	_ =	sdelay $0x3  }
0x33: {  	p0 =	seq.s32 s10, $0x1;
	s10 =	sld [smem:$0x3FB6];
	_ =	sdelay $0x3  }
0x34: {  	[smem:$0x3FB6] =	sst s10  }
0x35: {  	s10 =	sld [smem:$0x3FB5];
	_ =	sdelay $0x3  }
0x36: {  	p1 =	seq.s32 s10, $0x1;
	s10 =	sld [smem:$0x3FB6];
	_ =	sdelay $0x3  }
0x37: {  	[smem:$0x3FB6] =	sst s10  }
0x38: {  	s10 =	sld [smem:$0x3FB7]  }
0x39: {  	_ = 	snop;
	(pc) =	sbr.ind lr, $3  }
0x3a: {  	_ = 	snop  }
0x3b: {  	_ = 	snop  }
0x3c: {  	p2 =	seq.s32 s10, $0x1;
	s10 =	sld [smem:$0x3FB6]  }
0x3d: {  	_ =	shalt  }
0x3e: {  	_ =	shalt  }
0x3f: {  	_ =	shalt  }
0x40: {  	_ =	shalt  }
0x41: {  	_ =	shalt  }
0x42: {  	_ =	shalt  }
0x43: {  	_ =	shalt  }
0x44: {  	_ =	shalt  }
0x45: {  	_ =	shalt  }
0x46: {  	_ =	shalt  }
0x47: {  	_ =	shalt  }
0x48: {  	_ =	shalt  }
0x49: {  	_ =	shalt  }
0x4a: {  	_ =	shalt  }
0x4b: {  	_ =	shalt  }
0x4c: {  	_ =	shalt  }
0x4d: {  	_ =	shalt  }
0x4e: {  	_ =	shalt  }
0x4f: {  	_ =	shalt  }
0x50: {  	_ =	shalt  }
0x51: {  	_ =	shalt  }
0x52: {  	_ =	shalt  }
0x53: {  	_ =	shalt  }
0x54: {  	_ =	shalt  }
0x55: {  	_ =	shalt  }
0x56: {  	_ =	shalt  }
0x57: {  	_ =	shalt  }
0x58: {  	_ =	shalt  }
0x59: {  	_ =	shalt  }
0x5a: {  	_ =	shalt  }
0x5b: {  	_ =	shalt  }
0x5c: {  	_ =	shalt  }
0x5d: {  	_ =	shalt  }
0x5e: {  	_ =	shalt  }
0x5f: {  	_ =	shalt  }
0x60: {  	_ =	shalt  }
0x61: {  	_ =	shalt  }
0x62: {  	_ =	shalt  }
0x63: {  	_ =	shalt  }
0x64: {  	_ =	shalt  }
0x65: {  	_ =	shalt  }
0x66: {  	_ =	shalt  }
0x67: {  	_ =	shalt  }
0x68: {  	_ =	shalt  }
0x69: {  	_ =	shalt  }
0x6a: {  	_ =	shalt  }
0x6b: {  	_ =	shalt  }
0x6c: {  	_ =	shalt  }
0x6d: {  	_ =	shalt  }
0x6e: {  	_ =	shalt  }
0x6f: {  	_ =	shalt  }
0x70: {  	_ =	shalt  }
0x71: {  	_ =	shalt  }
0x72: {  	_ =	shalt  }
0x73: {  	_ =	shalt  }
0x74: {  	_ =	shalt  }
0x75: {  	_ =	shalt  }
0x76: {  	_ =	shalt  }
0x77: {  	_ =	shalt  }
0x78: {  	_ =	shalt  }
0x79: {  	_ =	shalt  }
0x7a: {  	_ =	shalt  }
0x7b: {  	_ =	shalt  }
0x7c: {  	_ =	shalt  }
0x7d: {  	_ =	shalt  }
0x7e: {  	_ =	shalt  }
0x7f: {  	_ =	shalt  }
0x80: {  	_ =	shalt  }
0x81: {  	_ =	shalt  }
0x82: {  	_ =	shalt  }
0x83: {  	_ =	shalt  }
0x84: {  	_ =	shalt  }
0x85: {  	_ =	shalt  }
0x86: {  	_ =	shalt  }
0x87: {  	_ =	shalt  }
.Lfunc_end0:
.L_simem_size_0:
called_computation_lowered:
.L_overlay_start_0:
0x88: {  	s2 =	sld [smem:$0x3FD9]  }
0x89: {  	s3 =	sld [smem:$0x3FFE];
	_ =	sdelay $0x1  }
0x8a: {  	s1 =	srdreg.scid  }
0x8b: {  	s0 =	sand.u32 $0x1, s1  }
0x8c: {  	s16 =	sshll.u32 s0, $0xA;
	s2 =	sadd.s32 s3, s2  }
0x8d: {  	s2 =	sadd.s32 s2, s16  }
0x8e: {  	[smem:$0x3FC2] =	sst s2  }
0x8f: {  	_ = 	snop  }
0x90: {  	(tm) =	ssettm $0x1  }
0x91: {  	s17 =	sld [smem:$0x3FFB];
	_ =	sdelay $0x3  }
0x92: {  	_ =	strace s17  }
0x93: {  	s2 =	sld [smem:$0x3FFC];
	_ =	sdelay $0x3  }
0x94: {  	_ =	strace s2  }
0x95: {  	s2 =	sld [smem:$0x3FFD];
	_ =	sdelay $0x3  }
0x96: {  	_ =	strace s2  }
0x97: {  	_ =	strace $0x8FFFFFFF  }
0x98: {  	s18 =	sld [smem:$0x3FDB];
	_ =	sdelay $0x1  }
0x99: {  	s19 =	simm.s32 $_scs_section_size  }
0x9a: {  	s4 =	simm.s32 $_size__tile_overlayer_lowered;
	s5 =	simm.s32 $_tile_overlayer_lowered  }
0x9b: {  	s22 =	simm.s32 $0x1BFF;
	s21 =	sshll.u32 s5, $0x1;
	s2 =	sadd.s32 s19, s18  }
0x9c: {  	s6 =	simm.s32 $0x0;
	s20 =	sshll.u32 s4, $0x1;
	s4 =	sadd.s32 s21, s2  }
0x9d: {  	[timem:s6], [sflag:s22] =	dma.local [hbm:s4], s20  }
0x9e: {  	_ =	swait.ge [sflag:s22], s20  }
0x9f: {  	s3 =	ssub.s32 $0x0, s20;
	[sflag:s22] =	ssyncset.done $0x0  }
0xa0: {  	[sflag:s22] =	ssyncadd.s32 s3;
	_ =	sdelay $0x1  }
0xa1: {  	s23 =	simm.s32 $0x1B8B  }
0xa2: {  	_ =	swait.ge [sflag:s23], $0x1  }
0xa3: {  	[sflag:s23] =	ssyncset.done $0x0  }
0xa4: {  	s25 =	simm.s32 $0x1B8E;
	s24 =	sld [smem:$0x3FFE];
	[sflag:s23] =	ssyncadd.s32 $0xFFFFFFFF  }
0xa5: {  	s26 =	simm.s32 $execute0_lowered;
	[smem:$0x3FD2] =	sst s25  }
0xa6: {  	s4 =	sshll.u32 s26, $0x1;
	_ =	strace $0x80000046;
	[dreg:$0x1] =	wrdreg $0xFFFFFFFF  }
0xa7: {  	s28 =	simm.s32 $_size_execute0_lowered;
	s2 =	sadd.s32 s2, s4;
	[dreg:$0x0] =	wrdreg $0x0  }
0xa8: {  	s4 =	sshll.u32 s28, $0x1;
	[dreg:$0x2] =	wrdreg s2  }
0xa9: {  	[dreg:$0x3] =	wrdreg s4  }
0xaa: {  	[dreg:$0x4] =	wrdreg $0xC0  }
0xab: {  	_ =	task [dreg:s6], $0x5FFFF  }
0xac: {  	[dreg:$0x1] =	wrdreg $0xFFFFFFFF  }
0xad: {  	[dreg:$0x0] =	wrdreg $0x60  }
0xae: {  	[dreg:$0x2] =	wrdreg s24  }
0xaf: {  	[dreg:$0x3] =	wrdreg $0x9  }
0xb0: {  	_ =	task.clear_ibuf [dreg:s6], $0x4FFFF;
	_ =	strace $0x90000046  }
0xb1: {  	s29 =	simm.s32 $0x9;
	_ =	strace $0x80000048  }
0xb2: {  	_ =	swait.ge [sflag:s29], $0x1  }
0xb3: {  	[sflag:s29] =	ssyncadd.s32 $0xFFFFFFFF  }
0xb4: {  	_ =	strace $0x90000048  }
0xb5: {  	_ =	sfence  }
0xb6: {  	s30 =	sld [smem:$0x0];
	_ =	sdelay $0x2  }
0xb7: {  	s31 =	sshll.u32 s1, $0xD;
	s1 =	sshrl.u32 s1, $0x2  }
0xb8: {  	s3 =	sand.u32 $0x4000, s31;
	s1 =	sadd.s32 s1, s30  }
0xb9: {  	s0 =	sor.u32 s3, s0;
	s1 =	sshll.u32 s1, $0x11  }
0xba: {  	s0 =	sor.u32 s1, s0  }
0xbb: {  	s0 =	sadd.s32 $0x8F2B, s0  }
0xbc: {  	[sflag:s0] =	ssyncadd.remote.s32 $0x1  }
0xbd: {  	_ =	sfence.sel $0xFFFF  }
0xbe: {  	[dreg:$0x0] =	wrdreg $0xFFFFFFFF;
	(pc) =	sbr.abs _section_cstart, $3  }
0xbf: {  	[dreg:$0x1] =	wrdreg $0xFFFFFFFF  }
0xc0: {  	_ =	task.clear_ibuf [dreg:s6], $0x2FFFF;
	_ =	strace $0x9FFFFFFF  }
0xc1: {  	(tm) =	ssettm $0x7FFFFFFF  }
tec
execute0_lowered:
.L_overlay_start_1:
0x0: {  	(tag) =	ssettag $0x1  }
0x1: {  	s1 =	srdreg.scid;
	s0 =	stileid.u32  }
0x2: {  	s4 =	rddreg [dreg:$0x0];
	s2 =	simm.s32 $0x0;
	s8 =	simm.s32 $0x190  }
0x3: {  	s9 =	simm.s32 $0x6400;
	s10 =	simm.s32 $0xC800;
	s11 =	simm.s32 $0x1  }
0x4: {  	s12 =	simm.s32 $0x2;
	s13 =	simm.s32 $0x12C00;
	s14 =	simm.s32 $0x0  }
0x5: {  	s3 =	sand.u32 $0x1, s1;
	s5 =	sshll.u32 s0, $0x1;
	[smem:$0x7FF] =	sst s2  }
0x6: {  	s1 =	rddreg [dreg:$0x1];
	s5 =	sor.u32 s3, s5;
	_ =	strace $0x80000047  }
0x7: {  	s7 =	ssub.s32 $0x2, s3;
	s6 =	smul.u32 $0xC80, s5;
	s5 =	sshll.u32 s5, $0xC  }
0x8: {  	s3 =	sadd.s32 $0xF43000, s4;
	s31 =	sshrl.u32 s7, $0x1;
	s5 =	sadd.s32 s5, s4  }
0x9: {  	s7 =	ssub.s32 s7, s31;
	s6 =	sadd.s32 s6, s4;
	s5 =	sadd.s32 $0x19C00, s5  }
0xa: {  	s4 =	sadd.s32 $0xC00, s6;
	s6 =	smax.u32 s7, $0x1;
	s7 =	simm.s32 $0x3  }
.LBB2_1:
0xb: {  	[tilespmem:s2], [sflag:$0x3] =	stream.linear.gather [hbm4b:s4+s2], $0x6400, $0x38;
	[tilespmem:$0x1AC00] =	vst v63  }
0xc: {  	_ =	swait.ge [sflag:s7], $0x6400  }
0xd: {  	[sflag:s7] =	ssyncset.done $0x0  }
0xe: {  	s15 =	simm.s32 $0x0;
	[sflag:s7] =	ssyncadd.s32 $0xFFFF9C00  }
0xf: {  	[tilespmem:s9], [sflag:$0x1] =	stream.indirect.gather [hbm4b:s3+s8], $0x40, s2, s8, $0xb8;
	[tilespmem:$0x1AC00] =	vst v63  }
.LBB2_3:
0x10: {  	s16 =	sshllo.u32 s15, $0x1  }
0x11: {  	s17 =	smul.u32 $0x640, s16;
	_ =	sdelay $0x1  }
0x12: {  	s31 =	sshll.u32 s15, $0xA;
	s17 =	sshra.s32 s17, $0x2  }
0x13: {  	[tilespmem:s10], [sflag:$0x2] =	stream.indirect.gather [hbm4b:s3+s8], $0x40, s17, s8, $0xb8;
	[tilespmem:$0x1AC00] =	vst v63  }
0x14: {  	s17 =	sand.u32 $0x3FFFFC00, s31;
	_ =	swait.ge [sflag:s11], $0x6400  }
0x15: {  	s19 =	sadd.s32 $0x12C00, s17;
	[sflag:s11] =	ssyncset.done $0x0  }
0x16: {  	s18 =	simm.s32 $0x6420;
	s17 =	simm.s32 $0x0;
	v0 =	vmov s19;
	[sflag:s11] =	ssyncadd.s32 $0xFFFF9C00  }
.LBB2_4:
0x17: {  	v3 =	vmov s18;
	_ =	sdelay $0x3  }
0x18: {  	s20 =	simm.s32 $0x0  }
0x19: {  	v1 =	vld.idx.msk [tilespmem:v3+s20+$0x10 ss:$0x1], $0xffff  }
0x1a: {  	v4 =	vld.idx.msk [tilespmem:v3+s20+$0xFFFFFFE0 ss:$0x1], $0xffff  }
0x1b: {  	v2 =	vimm.f32 $0.0e+00;
	v5 =	vld.idx.msk [tilespmem:v3+s20+$0xFFFFFFF0 ss:$0x1], $0xffff  }
0x1c: {  	s19 =	simm.s32 $0x100;
	v9 =	vimm.f32 $0.0e+00;
	v8 =	vimm.f32 $0.0e+00;
	v7 =	vimm.f32 $0.0e+00;
	v6 =	vld.idx.msk [tilespmem:v3+s20+$0x0 ss:$0x1], $0xffff  }
.LBB2_5:
0x1d: {  	p0 =	sne.s32 s19, $0x3100  }
.Ltmp0:
0x1e: {  	s20 =	sshra.s32 s19, $0x2;
	s19 =	sadd.s32 $0x100, s19;
	(pc) =	sbr.rel @p0 .LBB2_5-.Ltmp0, $4  }
0x1f: {  	v2 =	vadd.f32 v1, v2;
	v1 =	vld.idx.msk [tilespmem:v3+s20+$0x10 ss:$0x1], $0xffff  }
0x20: {  	v9 =	vadd.f32 v4, v9;
	v4 =	vld.idx.msk [tilespmem:v3+s20+$0xFFFFFFE0 ss:$0x1], $0xffff  }
0x21: {  	v8 =	vadd.f32 v5, v8;
	v5 =	vld.idx.msk [tilespmem:v3+s20+$0xFFFFFFF0 ss:$0x1], $0xffff  }
0x22: {  	v7 =	vadd.f32 v6, v7;
	v6 =	vld.idx.msk [tilespmem:v3+s20+$0x0 ss:$0x1], $0xffff  }
0x23: {  	_ = 	snop  }
0x24: {  	s19 =	sshll.u32 s17, $0x6;
	s17 =	sadd.s32 $0x1, s17  }
0x25: {  	p0 =	sne.s32 s17, $0x8;
	v3 =	vadd.f32 v4, v9  }
.Ltmp1:
0x26: {  	s19 =	sand.u32 $0x3FFFFFC0, s19;
	v62 =	vadd.f32 v5, v8;
	(pc) =	sbr.rel @p0 .LBB2_4-.Ltmp1, $4  }
0x27: {  	v63 =	vadd.f32 v6, v7;
	[tilespmem:v0+s19+$0x0 ss:$0x1] =	vst.idx.msk $0xffff, v3  }
0x28: {  	v1 =	vadd.f32 v1, v2;
	[tilespmem:v0+s19+$0x10 ss:$0x1] =	vst.idx.msk $0xffff, v62  }
0x29: {  	[tilespmem:v0+s19+$0x20 ss:$0x1] =	vst.idx.msk $0xffff, v63  }
0x2a: {  	s18 =	sadd.s32 $0xC80, s18;
	[tilespmem:v0+s19+$0x30 ss:$0x1] =	vst.idx.msk $0xffff, v1  }
0x2b: {  	p0 =	seq.s32 s15, $0x1F  }
0x2c: {  	s17 =	smul.u32 @!p0 $0xC80, s15;
	_ =	sdelay $0x1  }
0x2d: {  	s16 =	sshll.u32 s16, $0x9;
	s17 =	sshra.s32 @!p0 s17, $0x2  }
0x2e: {  	s18 =	simm.s32 @!p0 $0x190;
	s19 =	simm.s32 @!p0 $0x6400;
	s17 =	sadd.s32 @!p0 $0x320, s17  }
0x2f: {  	[tilespmem:s19], [sflag:$0x1] =	stream.indirect.gather @!p0 [hbm4b:s3+s18], $0x40, s17, s18, $0xb8;
	[tilespmem:$0x1AC00] =	vst v63  }
0x30: {  	s16 =	sand.u32 $0x3FFFFE00, s16;
	_ =	swait.ge [sflag:s12], $0x6400  }
0x31: {  	s15 =	sadd.s32 $0x1, s15;
	s31 =	sadd.s32 $0x12C00, s16;
	[sflag:s12] =	ssyncset.done $0x0  }
0x32: {  	s16 =	simm.s32 $0x0;
	v0 =	vmov s31;
	s17 =	simm.s32 $0xC820;
	[sflag:s12] =	ssyncadd.s32 $0xFFFF9C00  }
.LBB2_8:
0x33: {  	v3 =	vmov s17;
	_ =	sdelay $0x3  }
0x34: {  	s19 =	simm.s32 $0x0  }
0x35: {  	v1 =	vld.idx.msk [tilespmem:v3+s19+$0x10 ss:$0x1], $0xffff  }
0x36: {  	v4 =	vld.idx.msk [tilespmem:v3+s19+$0xFFFFFFE0 ss:$0x1], $0xffff  }
0x37: {  	v2 =	vimm.f32 $0.0e+00;
	v5 =	vld.idx.msk [tilespmem:v3+s19+$0xFFFFFFF0 ss:$0x1], $0xffff  }
0x38: {  	s18 =	simm.s32 $0x100;
	v9 =	vimm.f32 $0.0e+00;
	v8 =	vimm.f32 $0.0e+00;
	v7 =	vimm.f32 $0.0e+00;
	v6 =	vld.idx.msk [tilespmem:v3+s19+$0x0 ss:$0x1], $0xffff  }
.LBB2_9:
0x39: {  	p0 =	sne.s32 s18, $0x3100  }
.Ltmp2:
0x3a: {  	s19 =	sshra.s32 s18, $0x2;
	s18 =	sadd.s32 $0x100, s18;
	(pc) =	sbr.rel @p0 .LBB2_9-.Ltmp2, $4  }
0x3b: {  	v2 =	vadd.f32 v1, v2;
	v1 =	vld.idx.msk [tilespmem:v3+s19+$0x10 ss:$0x1], $0xffff  }
0x3c: {  	v9 =	vadd.f32 v4, v9;
	v4 =	vld.idx.msk [tilespmem:v3+s19+$0xFFFFFFE0 ss:$0x1], $0xffff  }
0x3d: {  	v8 =	vadd.f32 v5, v8;
	v5 =	vld.idx.msk [tilespmem:v3+s19+$0xFFFFFFF0 ss:$0x1], $0xffff  }
0x3e: {  	v7 =	vadd.f32 v6, v7;
	v6 =	vld.idx.msk [tilespmem:v3+s19+$0x0 ss:$0x1], $0xffff  }
0x3f: {  	_ = 	snop  }
0x40: {  	s18 =	sshll.u32 s16, $0x6;
	s16 =	sadd.s32 $0x1, s16  }
0x41: {  	p0 =	seq.s32 s16, $0x8;
	v3 =	vadd.f32 v4, v9  }
.Ltmp3:
0x42: {  	s18 =	sand.u32 $0x3FFFFFC0, s18;
	v62 =	vadd.f32 v5, v8;
	(pc) =	sbr.rel @!p0 .LBB2_8-.Ltmp3, $4  }
0x43: {  	v63 =	vadd.f32 v6, v7;
	[tilespmem:v0+s18+$0x0 ss:$0x1] =	vst.idx.msk $0xffff, v3  }
0x44: {  	v1 =	vadd.f32 v1, v2;
	[tilespmem:v0+s18+$0x10 ss:$0x1] =	vst.idx.msk $0xffff, v62  }
0x45: {  	[tilespmem:v0+s18+$0x20 ss:$0x1] =	vst.idx.msk $0xffff, v63  }
0x46: {  	s17 =	sadd.s32 $0xC80, s17;
	[tilespmem:v0+s18+$0x30 ss:$0x1] =	vst.idx.msk $0xffff, v1  }
0x47: {  	p0 =	seq.s32 s15, $0x20  }
.Ltmp4:
0x48: {  	_ = 	snop;
	(pc) =	sbr.rel @!p0 .LBB2_3-.Ltmp4, $1  }
0x49: {  	_ =	sdelay $0x3  }
0x4a: {  	s14 =	sadd.s32 $0x1, s14  }
0x4b: {  	p0 =	sne.s32 s14, s6  }
.Ltmp5:
0x4c: {  	_ = 	snop;
	(pc) =	sbr.rel @p0 .LBB2_1-.Ltmp5, $4  }
0x4d: {  	[hbm4b:s5+s2] =	stream.linear.scatter [tilespmem:s13], [sflag:$0x3], $0x8000, $0x38;
	[tilespmem:$0x1AC00] =	vst v63  }
0x4e: {  	_ =	swait.ge [sflag:s7], $0x8000  }
0x4f: {  	[sflag:s7] =	ssyncset.done $0x0  }
0x50: {  	[sflag:s7] =	ssyncadd.s32 $0xFFFF8000  }
0x51: {  	_ =	sfence.sel $0x180000  }
0x52: {  	[bflag:$0x0] =	sbarrier.arrive $0xFFFF  }
0x53: {  	p0 =	sne.s32 s0, $0x0;
	_ =	strace $0x90000047  }
0x54: {  	s0 =	sadd.s32 @!p0 $0x100000, s1;
	[bflag:$0x2] =	sbarrier.arrive $0xFFFF  }
0x55: {  	[sflag:s0] =	ssyncadd.tile.s32 @!p0 $0x1;
	_ =	shalt  }
.Lfunc_end2:
_tile_overlayer_lowered:
.L_overlay_start_2:
0x56: {  	(tag) =	ssettag $0x2  }
0x57: {  	s0 =	rddreg [dreg:$0x0];
	s2 =	stileid.u32  }
0x58: {  	s1 =	rddreg [dreg:$0x1];
	p0 =	sne.s32 s2, $0x0  }
0x59: {  	s3 =	rddreg [dreg:$0x2];
	[bflag:$0x3] =	sbarrier.arrive $0xFFFF;
	s2 =	simm.s32 @!p0 $0x1C03  }
0x5a: {  	[timem:s3], [sflag:s2] =	dma.local @!p0 [hbm:s0], s1  }
0x5b: {  	s0 =	simm.s32 @!p0 $0x3  }
0x5c: {  	_ =	swait.ge @!p0 [sflag:s0], s1  }
0x5d: {  	s1 =	ssub.s32 @!p0 $0x0, s1;
	[sflag:s0] =	ssyncset.done @!p0 $0x0  }
0x5e: {  	[sflag:s0] =	ssyncadd.s32 @!p0 s1  }
0x5f: {  	[bflag:$0x3] =	sbarrier.arrive $0xFFFF  }
0x60: {  	_ =	shalt  }

</sc_bundles>
